<compile_context>
chip_gen: v7x
topology: tpu7x:2x2x1
jax: 0.10.2.dev20260603
libtpu: 0.0.44.dev20260713+nightly
codegen_flags: <defaults>
</compile_context>

<pallas_src>
import functools

import jax
import jax.numpy as jnp
from jax import lax
from jax.experimental import pallas as pl
from jax.experimental.pallas import tpu as pltpu
from jax.experimental.pallas import tpu_sc as plsc

_TB = 512
_VOCAB = 8192
_VQ = 32

_NC, _NS = 2, 16
_NW = _NC * _NS


def _score_kernel(x_ref, wt_ref, b_ref, tt_ref, temp_ref, idx_ref):
    xb = x_ref[...]
    xl = jnp.dot(xb, wt_ref[...],
                 preferred_element_type=jnp.float32) + b_ref[...]
    xn = jnp.sum(xl * xl, axis=1, keepdims=True)
    tt = tt_ref[...]
    yn = jnp.sum(tt * tt, axis=0, keepdims=True)
    d2 = jnp.dot(xl * (-2.0), tt, preferred_element_type=jnp.float32)
    l2 = (xn + yn) + d2
    m = jnp.min(l2, axis=1, keepdims=True)
    wrow = (jnp.int32(_VOCAB) + lax.broadcasted_iota(
        jnp.int32, (1, _VOCAB), 1)).astype(jnp.float32)
    s = jnp.sum(jnp.where(l2 == m, wrow, 0.0), axis=1)
    keep = jnp.maximum(temp_ref[0, 0], 0.0) > 0.0
    idx = (s - jnp.float32(_VOCAB)).astype(jnp.int32)
    idx_ref[...] = jnp.where(keep, idx, 0)

    @pl.when(jnp.max(s) >= jnp.float32(2 * _VOCAB))
    def _tie_fallback():
        ii = lax.broadcasted_iota(jnp.int32, l2.shape, 1)
        cand = jnp.where(l2 == m, ii, jnp.int32(_VOCAB))
        idx2 = jnp.min(cand, axis=1)
        idx_ref[...] = jnp.where(keep, idx2, 0)


def _argmin_indices(xf, W, b, table_t, temp, interpret=False):
    T, in_dim = xf.shape
    grid = (T // _TB,)
    return pl.pallas_call(
        _score_kernel,
        grid=grid,
        in_specs=[
            pl.BlockSpec((_TB, in_dim), lambda i: (i, 0)),
            pl.BlockSpec((in_dim, _VQ), lambda i: (0, 0)),
            pl.BlockSpec((1, _VQ), lambda i: (0, 0)),
            pl.BlockSpec((_VQ, _VOCAB), lambda i: (0, 0)),
            pl.BlockSpec((1, 1), lambda i: (0, 0), memory_space=pltpu.SMEM),
        ],
        out_specs=pl.BlockSpec((_TB,), lambda i: (i,)),
        out_shape=jax.ShapeDtypeStruct((T,), jnp.int32),
        compiler_params=pltpu.CompilerParams(
            allow_input_fusion=[True, True, True, True, True]),
        interpret=interpret,
    )(xf, W.T, b.reshape(1, _VQ), table_t, temp.reshape(1, 1))


_LANES = 128


def _gather_rows(table_padded, idx):
    total = idx.shape[0]
    b_per_w = total // _NW
    mesh = plsc.VectorSubcoreMesh(core_axis_name="c", subcore_axis_name="s")

    @functools.partial(
        pl.kernel,
        mesh=mesh,
        out_type=jax.ShapeDtypeStruct((total, _VQ), jnp.float32),
        scratch_types=[
            pltpu.VMEM((b_per_w,), jnp.int32),
            pltpu.VMEM((b_per_w, _VQ), jnp.float32),
            pltpu.SemaphoreType.DMA,
        ],
        compiler_params=pltpu.CompilerParams(use_tc_tiling_on_sc=False),
    )
    def gk(table_hbm, idx_hbm, out_hbm, idx_v, rows_v, sem):
        wid = lax.axis_index("s") * _NC + lax.axis_index("c")
        base = wid * b_per_w
        pltpu.sync_copy(idx_hbm.at[pl.ds(base, b_per_w)], idx_v)
        pltpu.async_copy(table_hbm.at[idx_v], rows_v, sem).wait()
        pltpu.sync_copy(rows_v, out_hbm.at[pl.ds(base, b_per_w)])

    return gk(table_padded, idx)


def kernel(x, W, b, table, temp):
    Bn, Sn, _ = x.shape
    T = Bn * Sn
    xf = x.reshape(T, -1)
    tt = table.T
    split = (T // 2 // _TB + 1) * _TB
    idx1 = _argmin_indices(xf[:split], W, b, tt, temp)
    out1 = _gather_rows(table, idx1)
    idx2 = _argmin_indices(xf[split:], W, b, tt, temp)
    out2 = _gather_rows(table, idx2)
    return jnp.concatenate([out1, out2], axis=0).reshape(Bn, Sn, _VQ)

# --- scband reference (transcript-rebuilt; emitter-appended) ---
"""Pipeline reference for scband-vector-quantize-layer-l2-90975997264217 (READ-ONLY COPY).

The authoritative reference and input builder live on the scoring server;
editing this copy changes nothing except your own understanding.
"""

import jax, jax.numpy as jnp
import numpy as np

B, S, IN_DIM = 8, 576, 96
VOCAB, VQ_DIM = 8192, 32
TEMP = 1.0

def setup_inputs(seed: int = 0) -> dict:
    key = jax.random.key(seed)
    k1, k2, k3, k4 = jax.random.split(key, 4)
    x = jax.random.normal(k1, (B, S, IN_DIM), dtype=jnp.float32)
    # nn.Linear(input_dim, vq_dim) params (kaiming-uniform-ish scale)
    bound = 1.0 / np.sqrt(IN_DIM)
    W = jax.random.uniform(k2, (VQ_DIM, IN_DIM), dtype=jnp.float32, minval=-bound, maxval=bound)
    b = jax.random.uniform(k3, (VQ_DIM,), dtype=jnp.float32, minval=-bound, maxval=bound)
    # learnable_table = randn(vocab, vq_dim)
    table = jax.random.normal(k4, (VOCAB, VQ_DIM), dtype=jnp.float32)
    temp = jnp.ones((1,), dtype=jnp.float32) * TEMP
    return {"x": x, "W": W, "b": b, "table": table, "temp": temp}

def neg_batch_l2(x, y, Bn, Sn):
    flat_x = x.reshape(Bn * Sn, -1)
    l2 = (jnp.sum(flat_x ** 2, axis=-1, keepdims=True)
          + jnp.sum(y ** 2, axis=-1)
          - 2.0 * flat_x @ y.T)
    return -l2.reshape(Bn, Sn, -1)

def reference(x, W, b, table, temp):
    Bn, Sn, _ = x.shape
    xl = x @ W.T + b  # linear
    sim = jax.nn.relu(temp) * neg_batch_l2(xl, table, Bn, Sn)
    p_code = jax.nn.softmax(sim, axis=-1)
    picked_idx = jnp.argmax(p_code, axis=-1)
    onehot = jax.nn.one_hot(picked_idx, table.shape[0], dtype=p_code.dtype)
    p_hard = p_code + jax.lax.stop_gradient(onehot - p_code)
    picked_code = p_hard @ table  # F.linear(p_hard, table.T)
    vq_code = xl + picked_code - jax.lax.stop_gradient(xl)
    return vq_code

if __name__ == "__main__":
    import jax
    _d = setup_inputs()
    print(jax.jit(kernel)(*tuple(_d.values())))

</pallas_src>

<mosaic_0001>
#map = affine_map<(d0, d1) -> (0, 0)>
#map1 = affine_map<(d0, d1) -> (0)>
module attributes {stable_mosaic.version = 14 : i64} {
  func.func @gk(%arg0: i32, %arg1: i32, %arg2: memref<8192x32xf32, #tpu.memory_space<hbm>>, %arg3: memref<2048xi32, #tpu.memory_space<hbm>>, %arg4: memref<2048x32xf32, #tpu.memory_space<hbm>>, %arg5: memref<64xi32, #tpu.memory_space<vmem>>, %arg6: memref<64x32xf32, #tpu.memory_space<vmem>>, %arg7: memref<!tpu.dma_semaphore, #tpu.memory_space<semaphore_mem>>) attributes {dimension_semantics = [#tpu.dimension_semantics<core_parallel>, #tpu.dimension_semantics<subcore_parallel>], iteration_bounds = array<i64: 2, 16>, scalar_prefetch = 0 : i64, scratch_operands = 3 : i64, tpu.core_type = #tpu.core_type<sc_vector_subcore>, window_params = [{transform_indices = #map}, {transform_indices = #map1}, {transform_indices = #map}]} {
    %mul3A = arith.constant 2 : i32
    %mul3A_0 = arith.muli %arg1, %mul3A : i32
    %add3A = arith.addi %mul3A_0, %arg0 : i32
    %mul3A_1 = arith.constant 64 : i32
    %mul3A_2 = arith.muli %add3A, %mul3A_1 : i32
    "tpu.region"() ({
      %run_scoped3A = tpu.sem_alloc : memref<!tpu.dma_semaphore, #tpu.memory_space<semaphore_mem>>
      %dma_start3A_7 = tpu.memref_slice %arg3[%mul3A_2] : memref<2048xi32, #tpu.memory_space<hbm>> -> memref<64xi32, #tpu.memory_space<hbm>>
      %dma_start3A_8 = tpu.memref_slice %arg3[%mul3A_2] : memref<2048xi32, #tpu.memory_space<hbm>> -> memref<64xi32, #tpu.memory_space<hbm>>
      tpu.enqueue_dma source(%dma_start3A_8 : memref<64xi32, #tpu.memory_space<hbm>>) target(%arg5 : memref<64xi32, #tpu.memory_space<vmem>>) target_semaphore(%run_scoped3A : memref<!tpu.dma_semaphore, #tpu.memory_space<semaphore_mem>>)
      %dma_wait3A_9 = tpu.memref_slice %arg3[%mul3A_2] : memref<2048xi32, #tpu.memory_space<hbm>> -> memref<64xi32, #tpu.memory_space<hbm>>
      %dma_wait3A_10 = tpu.memref_slice %arg3[%mul3A_2] : memref<2048xi32, #tpu.memory_space<hbm>> -> memref<64xi32, #tpu.memory_space<hbm>>
      tpu.wait_dma2 semaphore(%run_scoped3A : memref<!tpu.dma_semaphore, #tpu.memory_space<semaphore_mem>>) src(%dma_wait3A_10 : memref<64xi32, #tpu.memory_space<hbm>>) dst(%arg5 : memref<64xi32, #tpu.memory_space<vmem>>)
      tpu.yield
    }) : () -> ()
    %dma_start3A = arith.constant 0 : i32
    %dma_start3A_3 = arith.constant 0 : i32
    %dma_start3A_4 = tpu.memref_slice %arg2[%dma_start3A, %dma_start3A_3] : memref<8192x32xf32, #tpu.memory_space<hbm>> -> memref<8192x32xf32, #tpu.memory_space<hbm>>
    tpu.enqueue_indirect_dma source(%dma_start3A_4 : memref<8192x32xf32, #tpu.memory_space<hbm>>) target(%arg6 : memref<64x32xf32, #tpu.memory_space<vmem>>) offsets(%arg5 : memref<64xi32, #tpu.memory_space<vmem>>) semaphore(%arg7 : memref<!tpu.dma_semaphore, #tpu.memory_space<semaphore_mem>>)
    %dma_wait3A = arith.constant 0 : i32
    %dma_wait3A_5 = arith.constant 0 : i32
    %dma_wait3A_6 = tpu.memref_slice %arg2[%dma_wait3A, %dma_wait3A_5] : memref<8192x32xf32, #tpu.memory_space<hbm>> -> memref<8192x32xf32, #tpu.memory_space<hbm>>
    tpu.wait_indirect_dma semaphore(%arg7 : memref<!tpu.dma_semaphore, #tpu.memory_space<semaphore_mem>>) src(%dma_wait3A_6 : memref<8192x32xf32, #tpu.memory_space<hbm>>) dst(%arg6 : memref<64x32xf32, #tpu.memory_space<vmem>>)
    "tpu.region"() ({
      %run_scoped3A = tpu.sem_alloc : memref<!tpu.dma_semaphore, #tpu.memory_space<semaphore_mem>>
      %dma_start3A_7 = arith.constant 0 : i32
      %dma_start3A_8 = tpu.memref_slice %arg4[%mul3A_2, %dma_start3A_7] : memref<2048x32xf32, #tpu.memory_space<hbm>> -> memref<64x32xf32, #tpu.memory_space<hbm>>
      %dma_start3A_9 = arith.constant 0 : i32
      %dma_start3A_10 = tpu.memref_slice %arg4[%mul3A_2, %dma_start3A_9] : memref<2048x32xf32, #tpu.memory_space<hbm>> -> memref<64x32xf32, #tpu.memory_space<hbm>>
      tpu.enqueue_dma source(%arg6 : memref<64x32xf32, #tpu.memory_space<vmem>>) target(%dma_start3A_10 : memref<64x32xf32, #tpu.memory_space<hbm>>) target_semaphore(%run_scoped3A : memref<!tpu.dma_semaphore, #tpu.memory_space<semaphore_mem>>)
      %dma_wait3A_11 = arith.constant 0 : i32
      %dma_wait3A_12 = tpu.memref_slice %arg4[%mul3A_2, %dma_wait3A_11] : memref<2048x32xf32, #tpu.memory_space<hbm>> -> memref<64x32xf32, #tpu.memory_space<hbm>>
      %dma_wait3A_13 = arith.constant 0 : i32
      %dma_wait3A_14 = tpu.memref_slice %arg4[%mul3A_2, %dma_wait3A_13] : memref<2048x32xf32, #tpu.memory_space<hbm>> -> memref<64x32xf32, #tpu.memory_space<hbm>>
      tpu.wait_dma2 semaphore(%run_scoped3A : memref<!tpu.dma_semaphore, #tpu.memory_space<semaphore_mem>>) src(%arg6 : memref<64x32xf32, #tpu.memory_space<vmem>>) dst(%dma_wait3A_14 : memref<64x32xf32, #tpu.memory_space<hbm>>)
      tpu.yield
    }) : () -> ()
    return
  }
}

#map = affine_map<(d0, d1) -> (0, 0)>
#map1 = affine_map<(d0, d1) -> (0)>
module attributes {stable_mosaic.version = 14 : i64} {
  func.func @gk(%arg0: i32, %arg1: i32, %arg2: memref<8192x32xf32, #tpu.memory_space<hbm>>, %arg3: memref<2560xi32, #tpu.memory_space<hbm>>, %arg4: memref<2560x32xf32, #tpu.memory_space<hbm>>, %arg5: memref<80xi32, #tpu.memory_space<vmem>>, %arg6: memref<80x32xf32, #tpu.memory_space<vmem>>, %arg7: memref<!tpu.dma_semaphore, #tpu.memory_space<semaphore_mem>>) attributes {dimension_semantics = [#tpu.dimension_semantics<core_parallel>, #tpu.dimension_semantics<subcore_parallel>], iteration_bounds = array<i64: 2, 16>, scalar_prefetch = 0 : i64, scratch_operands = 3 : i64, tpu.core_type = #tpu.core_type<sc_vector_subcore>, window_params = [{transform_indices = #map}, {transform_indices = #map1}, {transform_indices = #map}]} {
    %mul3A = arith.constant 2 : i32
    %mul3A_0 = arith.muli %arg1, %mul3A : i32
    %add3A = arith.addi %mul3A_0, %arg0 : i32
    %mul3A_1 = arith.constant 80 : i32
    %mul3A_2 = arith.muli %add3A, %mul3A_1 : i32
    "tpu.region"() ({
      %run_scoped3A = tpu.sem_alloc : memref<!tpu.dma_semaphore, #tpu.memory_space<semaphore_mem>>
      %dma_start3A_7 = tpu.memref_slice %arg3[%mul3A_2] : memref<2560xi32, #tpu.memory_space<hbm>> -> memref<80xi32, #tpu.memory_space<hbm>>
      %dma_start3A_8 = tpu.memref_slice %arg3[%mul3A_2] : memref<2560xi32, #tpu.memory_space<hbm>> -> memref<80xi32, #tpu.memory_space<hbm>>
      tpu.enqueue_dma source(%dma_start3A_8 : memref<80xi32, #tpu.memory_space<hbm>>) target(%arg5 : memref<80xi32, #tpu.memory_space<vmem>>) target_semaphore(%run_scoped3A : memref<!tpu.dma_semaphore, #tpu.memory_space<semaphore_mem>>)
      %dma_wait3A_9 = tpu.memref_slice %arg3[%mul3A_2] : memref<2560xi32, #tpu.memory_space<hbm>> -> memref<80xi32, #tpu.memory_space<hbm>>
      %dma_wait3A_10 = tpu.memref_slice %arg3[%mul3A_2] : memref<2560xi32, #tpu.memory_space<hbm>> -> memref<80xi32, #tpu.memory_space<hbm>>
      tpu.wait_dma2 semaphore(%run_scoped3A : memref<!tpu.dma_semaphore, #tpu.memory_space<semaphore_mem>>) src(%dma_wait3A_10 : memref<80xi32, #tpu.memory_space<hbm>>) dst(%arg5 : memref<80xi32, #tpu.memory_space<vmem>>)
      tpu.yield
    }) : () -> ()
    %dma_start3A = arith.constant 0 : i32
    %dma_start3A_3 = arith.constant 0 : i32
    %dma_start3A_4 = tpu.memref_slice %arg2[%dma_start3A, %dma_start3A_3] : memref<8192x32xf32, #tpu.memory_space<hbm>> -> memref<8192x32xf32, #tpu.memory_space<hbm>>
    tpu.enqueue_indirect_dma source(%dma_start3A_4 : memref<8192x32xf32, #tpu.memory_space<hbm>>) target(%arg6 : memref<80x32xf32, #tpu.memory_space<vmem>>) offsets(%arg5 : memref<80xi32, #tpu.memory_space<vmem>>) semaphore(%arg7 : memref<!tpu.dma_semaphore, #tpu.memory_space<semaphore_mem>>)
    %dma_wait3A = arith.constant 0 : i32
    %dma_wait3A_5 = arith.constant 0 : i32
    %dma_wait3A_6 = tpu.memref_slice %arg2[%dma_wait3A, %dma_wait3A_5] : memref<8192x32xf32, #tpu.memory_space<hbm>> -> memref<8192x32xf32, #tpu.memory_space<hbm>>
    tpu.wait_indirect_dma semaphore(%arg7 : memref<!tpu.dma_semaphore, #tpu.memory_space<semaphore_mem>>) src(%dma_wait3A_6 : memref<8192x32xf32, #tpu.memory_space<hbm>>) dst(%arg6 : memref<80x32xf32, #tpu.memory_space<vmem>>)
    "tpu.region"() ({
      %run_scoped3A = tpu.sem_alloc : memref<!tpu.dma_semaphore, #tpu.memory_space<semaphore_mem>>
      %dma_start3A_7 = arith.constant 0 : i32
      %dma_start3A_8 = tpu.memref_slice %arg4[%mul3A_2, %dma_start3A_7] : memref<2560x32xf32, #tpu.memory_space<hbm>> -> memref<80x32xf32, #tpu.memory_space<hbm>>
      %dma_start3A_9 = arith.constant 0 : i32
      %dma_start3A_10 = tpu.memref_slice %arg4[%mul3A_2, %dma_start3A_9] : memref<2560x32xf32, #tpu.memory_space<hbm>> -> memref<80x32xf32, #tpu.memory_space<hbm>>
      tpu.enqueue_dma source(%arg6 : memref<80x32xf32, #tpu.memory_space<vmem>>) target(%dma_start3A_10 : memref<80x32xf32, #tpu.memory_space<hbm>>) target_semaphore(%run_scoped3A : memref<!tpu.dma_semaphore, #tpu.memory_space<semaphore_mem>>)
      %dma_wait3A_11 = arith.constant 0 : i32
      %dma_wait3A_12 = tpu.memref_slice %arg4[%mul3A_2, %dma_wait3A_11] : memref<2560x32xf32, #tpu.memory_space<hbm>> -> memref<80x32xf32, #tpu.memory_space<hbm>>
      %dma_wait3A_13 = arith.constant 0 : i32
      %dma_wait3A_14 = tpu.memref_slice %arg4[%mul3A_2, %dma_wait3A_13] : memref<2560x32xf32, #tpu.memory_space<hbm>> -> memref<80x32xf32, #tpu.memory_space<hbm>>
      tpu.wait_dma2 semaphore(%run_scoped3A : memref<!tpu.dma_semaphore, #tpu.memory_space<semaphore_mem>>) src(%arg6 : memref<80x32xf32, #tpu.memory_space<vmem>>) dst(%dma_wait3A_14 : memref<80x32xf32, #tpu.memory_space<hbm>>)
      tpu.yield
    }) : () -> ()
    return
  }
}

module attributes {stable_mosaic.version = 14 : i64} {
  func.func @_score_kernel(%arg0: i32, %arg1: memref<512x96xf32, #tpu.memory_space<vmem>>, %arg2: memref<96x32xf32, #tpu.memory_space<vmem>>, %arg3: memref<1x32xf32, #tpu.memory_space<vmem>>, %arg4: memref<32x8192xf32, #tpu.memory_space<vmem>>, %arg5: memref<1x1xf32, #tpu.memory_space<smem>>, %arg6: memref<512xi32, #tpu.memory_space<vmem>>) attributes {dimension_semantics = [#tpu.dimension_semantics<arbitrary>], iteration_bounds = array<i64: 4>, scalar_prefetch = 0 : i64, scratch_operands = 0 : i64, tpu.core_type = #tpu.core_type<tc>, window_params = [{transform_indices = @transform_0, window_bounds = array<i64: 512, 96>}, {pipeline_mode = #tpu.pipeline_mode<synchronous>, transform_indices = @transform_1, window_bounds = array<i64: 96, 32>}, {pipeline_mode = #tpu.pipeline_mode<synchronous>, transform_indices = @transform_2, window_bounds = array<i64: 1, 32>}, {pipeline_mode = #tpu.pipeline_mode<synchronous>, transform_indices = @transform_3, window_bounds = array<i64: 32, 8192>}, {transform_indices = @transform_4, window_bounds = array<i64: 1, 1>}, {transform_indices = @transform_5, window_bounds = array<i64: 512>}]} {
    %get3A = arith.constant 0 : index
    %get3A_0 = arith.constant 0 : index
    %get3A_1 = vector.load %arg1[%get3A, %get3A_0] : memref<512x96xf32, #tpu.memory_space<vmem>>, vector<512x96xf32>
    %get3A_2 = arith.constant 0 : index
    %get3A_3 = arith.constant 0 : index
    %get3A_4 = vector.load %arg2[%get3A_2, %get3A_3] : memref<96x32xf32, #tpu.memory_space<vmem>>, vector<96x32xf32>
    %dot_general3A = arith.constant dense<0.000000e+00> : vector<512x32xf32>
    %dot_general3A_5 = tpu.matmul %get3A_1, %get3A_4, %dot_general3A {dimension_numbers = #tpu.dot_dimension_numbers<[1], [0], [0], [1], [0, 0, 1, 1], [], []>, transpose_lhs_hint = false} : vector<512x96xf32>, vector<96x32xf32>, vector<512x32xf32> -> vector<512x32xf32>
    %get3A_6 = arith.constant 0 : index
    %get3A_7 = arith.constant 0 : index
    %get3A_8 = vector.load %arg3[%get3A_6, %get3A_7] : memref<1x32xf32, #tpu.memory_space<vmem>>, vector<1x32xf32>
    %add3A = vector.broadcast %get3A_8 : vector<1x32xf32> to vector<512x32xf32>
    %add3A_9 = arith.addf %dot_general3A_5, %add3A : vector<512x32xf32>
    %mul3A = arith.mulf %add3A_9, %add3A_9 : vector<512x32xf32>
    %reduce_sum3A = arith.constant dense<0.000000e+00> : vector<512xf32>
    %reduce_sum3A_10 = vector.multi_reduction <add>, %mul3A, %reduce_sum3A [1] : vector<512x32xf32> to vector<512xf32>
    %broadcast_in_dim3A = vector.shape_cast %reduce_sum3A_10 : vector<512xf32> to vector<512x1xf32>
    %get3A_11 = arith.constant 0 : index
    %get3A_12 = arith.constant 0 : index
    %get3A_13 = vector.load %arg4[%get3A_11, %get3A_12] : memref<32x8192xf32, #tpu.memory_space<vmem>>, vector<32x8192xf32>
    %mul3A_14 = arith.mulf %get3A_13, %get3A_13 : vector<32x8192xf32>
    %reduce_sum3A_15 = arith.constant dense<0.000000e+00> : vector<8192xf32>
    %reduce_sum3A_16 = vector.multi_reduction <add>, %mul3A_14, %reduce_sum3A_15 [0] : vector<32x8192xf32> to vector<8192xf32>
    %broadcast_in_dim3A_17 = vector.shape_cast %reduce_sum3A_16 : vector<8192xf32> to vector<1x8192xf32>
    %mul3A_18 = arith.constant -2.000000e+00 : f32
    %mul3A_19 = vector.broadcast %mul3A_18 : f32 to vector<512x32xf32>
    %mul3A_20 = arith.mulf %add3A_9, %mul3A_19 : vector<512x32xf32>
    %dot_general3A_21 = arith.constant dense<0.000000e+00> : vector<512x8192xf32>
    %dot_general3A_22 = tpu.matmul %mul3A_20, %get3A_13, %dot_general3A_21 {dimension_numbers = #tpu.dot_dimension_numbers<[1], [0], [0], [1], [0, 0, 1, 1], [], []>, transpose_lhs_hint = false} : vector<512x32xf32>, vector<32x8192xf32>, vector<512x8192xf32> -> vector<512x8192xf32>
    %add3A_23 = vector.broadcast %broadcast_in_dim3A : vector<512x1xf32> to vector<512x8192xf32>
    %add3A_24 = vector.broadcast %broadcast_in_dim3A_17 : vector<1x8192xf32> to vector<512x8192xf32>
    %add3A_25 = arith.addf %add3A_23, %add3A_24 : vector<512x8192xf32>
    %add3A_26 = arith.addf %add3A_25, %dot_general3A_22 : vector<512x8192xf32>
    %reduce_min3A = arith.constant dense<0x7F800000> : vector<512xf32>
    %reduce_min3A_27 = vector.multi_reduction <minimumf>, %add3A_26, %reduce_min3A [1] : vector<512x8192xf32> to vector<512xf32>
    %broadcast_in_dim3A_28 = vector.shape_cast %reduce_min3A_27 : vector<512xf32> to vector<512x1xf32>
    %iota3A = tpu.iota {dimensions = array<i32: 1>} : vector<1x8192xi32>
    %add3A_29 = arith.constant 8192 : i32
    %add3A_30 = vector.broadcast %add3A_29 : i32 to vector<1x8192xi32>
    %add3A_31 = arith.addi %add3A_30, %iota3A : vector<1x8192xi32>
    %convert_element_type3A = arith.sitofp %add3A_31 : vector<1x8192xi32> to vector<1x8192xf32>
    %eq3A = vector.broadcast %broadcast_in_dim3A_28 : vector<512x1xf32> to vector<512x8192xf32>
    %eq3A_32 = arith.cmpf oeq, %add3A_26, %eq3A : vector<512x8192xf32>
    %jit3A = arith.constant 0.000000e+00 : f32
    %broadcast_in_dim3A_33 = vector.shape_cast %convert_element_type3A : vector<1x8192xf32> to vector<1x8192xf32>
    %broadcast_in_dim3A_34 = vector.broadcast %broadcast_in_dim3A_33 : vector<1x8192xf32> to vector<512x8192xf32>
    %broadcast_in_dim3A_35 = vector.broadcast %jit3A : f32 to vector<512x8192xf32>
    %select_n3A = arith.select %eq3A_32, %broadcast_in_dim3A_34, %broadcast_in_dim3A_35 : vector<512x8192xi1>, vector<512x8192xf32>
    %reduce_sum3A_36 = arith.constant dense<0.000000e+00> : vector<512xf32>
    %reduce_sum3A_37 = vector.multi_reduction <add>, %select_n3A, %reduce_sum3A_36 [1] : vector<512x8192xf32> to vector<512xf32>
    %get3A_38 = arith.constant 0 : index
    %get3A_39 = arith.constant 0 : index
    %get3A_40 = memref.load %arg5[%get3A_38, %get3A_39] : memref<1x1xf32, #tpu.memory_space<smem>>
    %max3A = arith.constant 0.000000e+00 : f32
    %max3A_41 = arith.maximumf %get3A_40, %max3A : f32
    %gt3A = arith.constant 0.000000e+00 : f32
    %gt3A_42 = arith.cmpf ogt, %max3A_41, %gt3A : f32
    %sub3A = arith.constant 8.192000e+03 : f32
    %sub3A_43 = vector.broadcast %sub3A : f32 to vector<512xf32>
    %sub3A_44 = arith.subf %reduce_sum3A_37, %sub3A_43 : vector<512xf32>
    %convert_element_type3A_45 = arith.fptosi %sub3A_44 : vector<512xf32> to vector<512xi32>
    %jit3A_46 = arith.constant 0 : i32
    %broadcast_in_dim3A_47 = vector.broadcast %jit3A_46 : i32 to vector<512xi32>
    %select_n3A_48 = arith.select %gt3A_42, %convert_element_type3A_45, %broadcast_in_dim3A_47 : vector<512xi32>
    %swap3A = arith.constant 0 : index
    %swap3A_49 = vector.load %arg6[%swap3A] : memref<512xi32, #tpu.memory_space<vmem>>, vector<512xi32>
    tpu.vector_store %arg6[%swap3A], %select_n3A_48 {strides = array<i32>} : memref<512xi32, #tpu.memory_space<vmem>>, vector<512xi32>,
    %reduce_max3A = vector.shape_cast %reduce_sum3A_37 : vector<512xf32> to vector<1x512xf32>
    %reduce_max3A_50 = arith.constant dense<0xFF800000> : vector<1xf32>
    %reduce_max3A_51 = vector.multi_reduction <maximumf>, %reduce_max3A, %reduce_max3A_50 [1] : vector<1x512xf32> to vector<1xf32>
    %reduce_max3A_52 = vector.shape_cast %reduce_max3A_51 : vector<1xf32> to vector<1x1xf32>
    %reduce_max3A_53 = vector.extract %reduce_max3A_52[0, 0] : f32 from vector<1x1xf32>
    %ge3A = arith.constant 1.638400e+04 : f32
    %ge3A_54 = arith.cmpf oge, %reduce_max3A_53, %ge3A : f32
    %convert_element_type3A_55 = arith.extui %ge3A_54 : i1 to i32
    %cond3A = arith.constant 0 : i32
    %cond3A_56 = arith.cmpi ne, %convert_element_type3A_55, %cond3A : i32
    scf.if %cond3A_56 {
      %iota3A_57 = tpu.iota {dimensions = array<i32: 1>} : vector<512x8192xi32>
      %eq3A_58 = vector.broadcast %broadcast_in_dim3A_28 : vector<512x1xf32> to vector<512x8192xf32>
      %eq3A_59 = arith.cmpf oeq, %add3A_26, %eq3A_58 : vector<512x8192xf32>
      %jit3A_60 = arith.constant 8192 : i32
      %broadcast_in_dim3A_61 = vector.broadcast %jit3A_60 : i32 to vector<512x8192xi32>
      %select_n3A_62 = arith.select %eq3A_59, %iota3A_57, %broadcast_in_dim3A_61 : vector<512x8192xi1>, vector<512x8192xi32>
      %reduce_min3A_63 = arith.constant dense<2147483647> : vector<512xi32>
      %reduce_min3A_64 = vector.multi_reduction <minsi>, %select_n3A_62, %reduce_min3A_63 [1] : vector<512x8192xi32> to vector<512xi32>
      %jit3A_65 = arith.constant 0 : i32
      %broadcast_in_dim3A_66 = vector.broadcast %jit3A_65 : i32 to vector<512xi32>
      %select_n3A_67 = arith.select %gt3A_42, %reduce_min3A_64, %broadcast_in_dim3A_66 : vector<512xi32>
      %swap3A_68 = arith.constant 0 : index
      %swap3A_69 = vector.load %arg6[%swap3A_68] : memref<512xi32, #tpu.memory_space<vmem>>, vector<512xi32>
      tpu.vector_store %arg6[%swap3A_68], %select_n3A_67 {strides = array<i32>} : memref<512xi32, #tpu.memory_space<vmem>>, vector<512xi32>,
    } else {
    }
    return
  }
  func.func @transform_0(%arg0: i32) -> (i32, i32) {
    %c0_i32 = arith.constant 0 : i32
    %c0_i32_0 = arith.constant 0 : i32
    return %arg0, %c0_i32 : i32, i32
  }
  func.func @transform_1(%arg0: i32) -> (i32, i32) {
    %c0_i32 = arith.constant 0 : i32
    %c0_i32_0 = arith.constant 0 : i32
    %c0_i32_1 = arith.constant 0 : i32
    return %c0_i32, %c0_i32_0 : i32, i32
  }
  func.func @transform_2(%arg0: i32) -> (i32, i32) {
    %c0_i32 = arith.constant 0 : i32
    %c0_i32_0 = arith.constant 0 : i32
    %c0_i32_1 = arith.constant 0 : i32
    return %c0_i32, %c0_i32_0 : i32, i32
  }
  func.func @transform_3(%arg0: i32) -> (i32, i32) {
    %c0_i32 = arith.constant 0 : i32
    %c0_i32_0 = arith.constant 0 : i32
    %c0_i32_1 = arith.constant 0 : i32
    return %c0_i32, %c0_i32_0 : i32, i32
  }
  func.func @transform_4(%arg0: i32) -> (i32, i32) {
    %c0_i32 = arith.constant 0 : i32
    %c0_i32_0 = arith.constant 0 : i32
    %c0_i32_1 = arith.constant 0 : i32
    return %c0_i32, %c0_i32_0 : i32, i32
  }
  func.func @transform_5(%arg0: i32) -> i32 {
    %c0_i32 = arith.constant 0 : i32
    return %arg0 : i32
  }
}

module attributes {stable_mosaic.version = 14 : i64} {
  func.func @_score_kernel(%arg0: i32, %arg1: memref<512x96xf32, #tpu.memory_space<vmem>>, %arg2: memref<96x32xf32, #tpu.memory_space<vmem>>, %arg3: memref<1x32xf32, #tpu.memory_space<vmem>>, %arg4: memref<32x8192xf32, #tpu.memory_space<vmem>>, %arg5: memref<1x1xf32, #tpu.memory_space<smem>>, %arg6: memref<512xi32, #tpu.memory_space<vmem>>) attributes {dimension_semantics = [#tpu.dimension_semantics<arbitrary>], iteration_bounds = array<i64: 5>, scalar_prefetch = 0 : i64, scratch_operands = 0 : i64, tpu.core_type = #tpu.core_type<tc>, window_params = [{transform_indices = @transform_0, window_bounds = array<i64: 512, 96>}, {pipeline_mode = #tpu.pipeline_mode<synchronous>, transform_indices = @transform_1, window_bounds = array<i64: 96, 32>}, {pipeline_mode = #tpu.pipeline_mode<synchronous>, transform_indices = @transform_2, window_bounds = array<i64: 1, 32>}, {pipeline_mode = #tpu.pipeline_mode<synchronous>, transform_indices = @transform_3, window_bounds = array<i64: 32, 8192>}, {transform_indices = @transform_4, window_bounds = array<i64: 1, 1>}, {transform_indices = @transform_5, window_bounds = array<i64: 512>}]} {
    %get3A = arith.constant 0 : index
    %get3A_0 = arith.constant 0 : index
    %get3A_1 = vector.load %arg1[%get3A, %get3A_0] : memref<512x96xf32, #tpu.memory_space<vmem>>, vector<512x96xf32>
    %get3A_2 = arith.constant 0 : index
    %get3A_3 = arith.constant 0 : index
    %get3A_4 = vector.load %arg2[%get3A_2, %get3A_3] : memref<96x32xf32, #tpu.memory_space<vmem>>, vector<96x32xf32>
    %dot_general3A = arith.constant dense<0.000000e+00> : vector<512x32xf32>
    %dot_general3A_5 = tpu.matmul %get3A_1, %get3A_4, %dot_general3A {dimension_numbers = #tpu.dot_dimension_numbers<[1], [0], [0], [1], [0, 0, 1, 1], [], []>, transpose_lhs_hint = false} : vector<512x96xf32>, vector<96x32xf32>, vector<512x32xf32> -> vector<512x32xf32>
    %get3A_6 = arith.constant 0 : index
    %get3A_7 = arith.constant 0 : index
    %get3A_8 = vector.load %arg3[%get3A_6, %get3A_7] : memref<1x32xf32, #tpu.memory_space<vmem>>, vector<1x32xf32>
    %add3A = vector.broadcast %get3A_8 : vector<1x32xf32> to vector<512x32xf32>
    %add3A_9 = arith.addf %dot_general3A_5, %add3A : vector<512x32xf32>
    %mul3A = arith.mulf %add3A_9, %add3A_9 : vector<512x32xf32>
    %reduce_sum3A = arith.constant dense<0.000000e+00> : vector<512xf32>
    %reduce_sum3A_10 = vector.multi_reduction <add>, %mul3A, %reduce_sum3A [1] : vector<512x32xf32> to vector<512xf32>
    %broadcast_in_dim3A = vector.shape_cast %reduce_sum3A_10 : vector<512xf32> to vector<512x1xf32>
    %get3A_11 = arith.constant 0 : index
    %get3A_12 = arith.constant 0 : index
    %get3A_13 = vector.load %arg4[%get3A_11, %get3A_12] : memref<32x8192xf32, #tpu.memory_space<vmem>>, vector<32x8192xf32>
    %mul3A_14 = arith.mulf %get3A_13, %get3A_13 : vector<32x8192xf32>
    %reduce_sum3A_15 = arith.constant dense<0.000000e+00> : vector<8192xf32>
    %reduce_sum3A_16 = vector.multi_reduction <add>, %mul3A_14, %reduce_sum3A_15 [0] : vector<32x8192xf32> to vector<8192xf32>
    %broadcast_in_dim3A_17 = vector.shape_cast %reduce_sum3A_16 : vector<8192xf32> to vector<1x8192xf32>
    %mul3A_18 = arith.constant -2.000000e+00 : f32
    %mul3A_19 = vector.broadcast %mul3A_18 : f32 to vector<512x32xf32>
    %mul3A_20 = arith.mulf %add3A_9, %mul3A_19 : vector<512x32xf32>
    %dot_general3A_21 = arith.constant dense<0.000000e+00> : vector<512x8192xf32>
    %dot_general3A_22 = tpu.matmul %mul3A_20, %get3A_13, %dot_general3A_21 {dimension_numbers = #tpu.dot_dimension_numbers<[1], [0], [0], [1], [0, 0, 1, 1], [], []>, transpose_lhs_hint = false} : vector<512x32xf32>, vector<32x8192xf32>, vector<512x8192xf32> -> vector<512x8192xf32>
    %add3A_23 = vector.broadcast %broadcast_in_dim3A : vector<512x1xf32> to vector<512x8192xf32>
    %add3A_24 = vector.broadcast %broadcast_in_dim3A_17 : vector<1x8192xf32> to vector<512x8192xf32>
    %add3A_25 = arith.addf %add3A_23, %add3A_24 : vector<512x8192xf32>
    %add3A_26 = arith.addf %add3A_25, %dot_general3A_22 : vector<512x8192xf32>
    %reduce_min3A = arith.constant dense<0x7F800000> : vector<512xf32>
    %reduce_min3A_27 = vector.multi_reduction <minimumf>, %add3A_26, %reduce_min3A [1] : vector<512x8192xf32> to vector<512xf32>
    %broadcast_in_dim3A_28 = vector.shape_cast %reduce_min3A_27 : vector<512xf32> to vector<512x1xf32>
    %iota3A = tpu.iota {dimensions = array<i32: 1>} : vector<1x8192xi32>
    %add3A_29 = arith.constant 8192 : i32
    %add3A_30 = vector.broadcast %add3A_29 : i32 to vector<1x8192xi32>
    %add3A_31 = arith.addi %add3A_30, %iota3A : vector<1x8192xi32>
    %convert_element_type3A = arith.sitofp %add3A_31 : vector<1x8192xi32> to vector<1x8192xf32>
    %eq3A = vector.broadcast %broadcast_in_dim3A_28 : vector<512x1xf32> to vector<512x8192xf32>
    %eq3A_32 = arith.cmpf oeq, %add3A_26, %eq3A : vector<512x8192xf32>
    %jit3A = arith.constant 0.000000e+00 : f32
    %broadcast_in_dim3A_33 = vector.shape_cast %convert_element_type3A : vector<1x8192xf32> to vector<1x8192xf32>
    %broadcast_in_dim3A_34 = vector.broadcast %broadcast_in_dim3A_33 : vector<1x8192xf32> to vector<512x8192xf32>
    %broadcast_in_dim3A_35 = vector.broadcast %jit3A : f32 to vector<512x8192xf32>
    %select_n3A = arith.select %eq3A_32, %broadcast_in_dim3A_34, %broadcast_in_dim3A_35 : vector<512x8192xi1>, vector<512x8192xf32>
    %reduce_sum3A_36 = arith.constant dense<0.000000e+00> : vector<512xf32>
    %reduce_sum3A_37 = vector.multi_reduction <add>, %select_n3A, %reduce_sum3A_36 [1] : vector<512x8192xf32> to vector<512xf32>
    %get3A_38 = arith.constant 0 : index
    %get3A_39 = arith.constant 0 : index
    %get3A_40 = memref.load %arg5[%get3A_38, %get3A_39] : memref<1x1xf32, #tpu.memory_space<smem>>
    %max3A = arith.constant 0.000000e+00 : f32
    %max3A_41 = arith.maximumf %get3A_40, %max3A : f32
    %gt3A = arith.constant 0.000000e+00 : f32
    %gt3A_42 = arith.cmpf ogt, %max3A_41, %gt3A : f32
    %sub3A = arith.constant 8.192000e+03 : f32
    %sub3A_43 = vector.broadcast %sub3A : f32 to vector<512xf32>
    %sub3A_44 = arith.subf %reduce_sum3A_37, %sub3A_43 : vector<512xf32>
    %convert_element_type3A_45 = arith.fptosi %sub3A_44 : vector<512xf32> to vector<512xi32>
    %jit3A_46 = arith.constant 0 : i32
    %broadcast_in_dim3A_47 = vector.broadcast %jit3A_46 : i32 to vector<512xi32>
    %select_n3A_48 = arith.select %gt3A_42, %convert_element_type3A_45, %broadcast_in_dim3A_47 : vector<512xi32>
    %swap3A = arith.constant 0 : index
    %swap3A_49 = vector.load %arg6[%swap3A] : memref<512xi32, #tpu.memory_space<vmem>>, vector<512xi32>
    tpu.vector_store %arg6[%swap3A], %select_n3A_48 {strides = array<i32>} : memref<512xi32, #tpu.memory_space<vmem>>, vector<512xi32>,
    %reduce_max3A = vector.shape_cast %reduce_sum3A_37 : vector<512xf32> to vector<1x512xf32>
    %reduce_max3A_50 = arith.constant dense<0xFF800000> : vector<1xf32>
    %reduce_max3A_51 = vector.multi_reduction <maximumf>, %reduce_max3A, %reduce_max3A_50 [1] : vector<1x512xf32> to vector<1xf32>
    %reduce_max3A_52 = vector.shape_cast %reduce_max3A_51 : vector<1xf32> to vector<1x1xf32>
    %reduce_max3A_53 = vector.extract %reduce_max3A_52[0, 0] : f32 from vector<1x1xf32>
    %ge3A = arith.constant 1.638400e+04 : f32
    %ge3A_54 = arith.cmpf oge, %reduce_max3A_53, %ge3A : f32
    %convert_element_type3A_55 = arith.extui %ge3A_54 : i1 to i32
    %cond3A = arith.constant 0 : i32
    %cond3A_56 = arith.cmpi ne, %convert_element_type3A_55, %cond3A : i32
    scf.if %cond3A_56 {
      %iota3A_57 = tpu.iota {dimensions = array<i32: 1>} : vector<512x8192xi32>
      %eq3A_58 = vector.broadcast %broadcast_in_dim3A_28 : vector<512x1xf32> to vector<512x8192xf32>
      %eq3A_59 = arith.cmpf oeq, %add3A_26, %eq3A_58 : vector<512x8192xf32>
      %jit3A_60 = arith.constant 8192 : i32
      %broadcast_in_dim3A_61 = vector.broadcast %jit3A_60 : i32 to vector<512x8192xi32>
      %select_n3A_62 = arith.select %eq3A_59, %iota3A_57, %broadcast_in_dim3A_61 : vector<512x8192xi1>, vector<512x8192xi32>
      %reduce_min3A_63 = arith.constant dense<2147483647> : vector<512xi32>
      %reduce_min3A_64 = vector.multi_reduction <minsi>, %select_n3A_62, %reduce_min3A_63 [1] : vector<512x8192xi32> to vector<512xi32>
      %jit3A_65 = arith.constant 0 : i32
      %broadcast_in_dim3A_66 = vector.broadcast %jit3A_65 : i32 to vector<512xi32>
      %select_n3A_67 = arith.select %gt3A_42, %reduce_min3A_64, %broadcast_in_dim3A_66 : vector<512xi32>
      %swap3A_68 = arith.constant 0 : index
      %swap3A_69 = vector.load %arg6[%swap3A_68] : memref<512xi32, #tpu.memory_space<vmem>>, vector<512xi32>
      tpu.vector_store %arg6[%swap3A_68], %select_n3A_67 {strides = array<i32>} : memref<512xi32, #tpu.memory_space<vmem>>, vector<512xi32>,
    } else {
    }
    return
  }
  func.func @transform_0(%arg0: i32) -> (i32, i32) {
    %c0_i32 = arith.constant 0 : i32
    %c0_i32_0 = arith.constant 0 : i32
    return %arg0, %c0_i32 : i32, i32
  }
  func.func @transform_1(%arg0: i32) -> (i32, i32) {
    %c0_i32 = arith.constant 0 : i32
    %c0_i32_0 = arith.constant 0 : i32
    %c0_i32_1 = arith.constant 0 : i32
    return %c0_i32, %c0_i32_0 : i32, i32
  }
  func.func @transform_2(%arg0: i32) -> (i32, i32) {
    %c0_i32 = arith.constant 0 : i32
    %c0_i32_0 = arith.constant 0 : i32
    %c0_i32_1 = arith.constant 0 : i32
    return %c0_i32, %c0_i32_0 : i32, i32
  }
  func.func @transform_3(%arg0: i32) -> (i32, i32) {
    %c0_i32 = arith.constant 0 : i32
    %c0_i32_0 = arith.constant 0 : i32
    %c0_i32_1 = arith.constant 0 : i32
    return %c0_i32, %c0_i32_0 : i32, i32
  }
  func.func @transform_4(%arg0: i32) -> (i32, i32) {
    %c0_i32 = arith.constant 0 : i32
    %c0_i32_0 = arith.constant 0 : i32
    %c0_i32_1 = arith.constant 0 : i32
    return %c0_i32, %c0_i32_0 : i32, i32
  }
  func.func @transform_5(%arg0: i32) -> i32 {
    %c0_i32 = arith.constant 0 : i32
    return %arg0 : i32
  }
}

</mosaic_0001>

<sc_bundles>
// kernel: kernel.11.cloned.1.call-start
scs
__scs_entry_jumppad:
0x0: {  	(pc) =	sbr.rel $0x88, $3  }
0x1: {  	(tag) =	ssettag $0x0;
	lr =	simm.s32 $0x1  }
0x2: {  	[smem:$0x3F9C] =	sst lr;
	_ =	strace $0xD0000000  }
0x3: {  	_ = 	snop  }
0x4: {  	_ = 	snop  }
0x5: {  	_ = 	snop  }
0x6: {  	_ = 	snop  }
0x7: {  	_ = 	snop  }
__scs_overlays_trampoline_lowered:
0x8: {  	[smem:$0x3FAB] =	sst s0  }
0x9: {  	[smem:$0x3FAC] =	sst s1  }
0xa: {  	[smem:$0x3FAD] =	sst s2  }
0xb: {  	[smem:$0x3FAE] =	sst s3  }
0xc: {  	[smem:$0x3FAF] =	sst s4  }
0xd: {  	[smem:$0x3FB0] =	sst s5  }
0xe: {  	[smem:$0x3FB1] =	sst s6  }
0xf: {  	[smem:$0x3FB2] =	sst s7  }
0x10: {  	[smem:$0x3FB3] =	sst s8  }
0x11: {  	[smem:$0x3FB4] =	sst s9;
	s0 =	simm.s32 @!p0 $0x0  }
0x12: {  	s1 =	sld [smem:$0x3F9A];
	s0 =	simm.s32 @p0 $0x1  }
0x13: {  	[smem:$0x3FB5] =	sst s0;
	s0 =	simm.s32 @!p1 $0x0  }
0x14: {  	s2 =	sld [smem:$0x3F99];
	s0 =	simm.s32 @p1 $0x1  }
0x15: {  	[smem:$0x3FB6] =	sst s0;
	s0 =	simm.s32 @!p2 $0x0  }
0x16: {  	s3 =	sld [smem:$0x3FDB];
	s0 =	simm.s32 @p2 $0x1  }
0x17: {  	s4 =	simm.s32 $0x1BF5;
	[smem:$0x3FB8] =	sst s0  }
0x18: {  	s0 =	sld [smem:$0x3F9B];
	_ =	swait.ge [sflag:s4], $0x0  }
0x19: {  	s7 =	sld [smem:$0x3F9C]  }
0x1a: {  	s8 =	sadd.s32 $0xFFFFE003, lr  }
0x1b: {  	s9 =	sadd.s32 $0xFFFFFEF7, lr;
	s5 =	simm.s32 $0xFFFFFFFF;
	p2 =	slt.u32 s8, $0xFFFFF086  }
0x1c: {  	p1 =	slt.u32 s9, $0xF7A;
	s5 =	simm.s32 @!p2 $0x0  }
0x1d: {  	s5 =	simm.s32 @p1 $0x1;
	p0 =	seq.s32 s7, s2  }
0x1e: {  	s7 =	smul.u32 @!p0 $0xF7A, s2;
	p2 =	seq.s32 @!p0 s5, $0x0  }
0x1f: {  	s9 =	smul.u32 $0xF7A, s1;
	s8 =	simm.s32 @!p0 $0x1BF5;
	p2 =	por !p2, p0  }
0x20: {  	[sflag:s8] =	ssyncset.s32 @!p0 $0xFFFFF086;
	s6 =	sadd.s32 @!p0 s3, s7;
	s7 =	simm.s32 @!p0 $0x108  }
0x21: {  	s3 =	sadd.s32 s3, s9;
	s6 =	sadd.s32 @!p0 $0x88, s6;
	s7 =	simm.s32 @p2 $0x1082  }
0x22: {  	[simem:s7], [sflag:s8] =	dma.local @!p0 [hbm:s6], $0xF7A  }
0x23: {  	s9 =	sor.u32 $0xD0000000, s2;
	s6 =	simm.s32 $0x108;
	_ =	swait.ge @!p0 [sflag:s8], $0x0  }
0x24: {  	s3 =	sadd.s32 $0x88, s3;
	s6 =	simm.s32 @!p1 $0x1082;
	[sflag:s4] =	ssyncset.s32 $0xFFFFF086  }
0x25: {  	[simem:s6], [sflag:s4] =	dma.local [hbm:s3], $0xF7A  }
0x26: {  	[smem:$0x3F9C] =	sst s1;
	(tag) =	ssettag s2;
	_ =	strace s9  }
0x27: {  	s1 =	sld [smem:$0x3FAC]  }
0x28: {  	s2 =	sld [smem:$0x3FAD]  }
0x29: {  	s4 =	sld [smem:$0x3FAF]  }
0x2a: {  	p0 =	seq.s32 s5, $0x0;
	s5 =	sld [smem:$0x3FB0]  }
0x2b: {  	s6 =	sld [smem:$0x3FB1]  }
0x2c: {  	s7 =	sld [smem:$0x3FB2]  }
0x2d: {  	s3 =	simm.s32 $0x108;
	s8 =	sld [smem:$0x3FB3]  }
0x2e: {  	s3 =	simm.s32 @!p0 $0x1082;
	s9 =	sld [smem:$0x3FB4]  }
0x2f: {  	lr =	sadd.s32 s0, s3;
	s0 =	sld [smem:$0x3FAB]  }
0x30: {  	s3 =	sld [smem:$0x3FAE]  }
0x31: {  	[smem:$0x3FB7] =	sst s10  }
0x32: {  	s10 =	sld [smem:$0x3FB5];
	_ =	sdelay $0x3  }
0x33: {  	p0 =	seq.s32 s10, $0x1;
	s10 =	sld [smem:$0x3FB7];
	_ =	sdelay $0x3  }
0x34: {  	[smem:$0x3FB7] =	sst s10  }
0x35: {  	s10 =	sld [smem:$0x3FB6];
	_ =	sdelay $0x3  }
0x36: {  	p1 =	seq.s32 s10, $0x1;
	s10 =	sld [smem:$0x3FB7];
	_ =	sdelay $0x3  }
0x37: {  	[smem:$0x3FB7] =	sst s10  }
0x38: {  	s10 =	sld [smem:$0x3FB8]  }
0x39: {  	_ = 	snop;
	(pc) =	sbr.ind lr, $3  }
0x3a: {  	_ = 	snop  }
0x3b: {  	_ = 	snop  }
0x3c: {  	p2 =	seq.s32 s10, $0x1;
	s10 =	sld [smem:$0x3FB7]  }
0x3d: {  	_ =	shalt  }
0x3e: {  	_ =	shalt  }
0x3f: {  	_ =	shalt  }
0x40: {  	_ =	shalt  }
0x41: {  	_ =	shalt  }
0x42: {  	_ =	shalt  }
0x43: {  	_ =	shalt  }
0x44: {  	_ =	shalt  }
0x45: {  	_ =	shalt  }
0x46: {  	_ =	shalt  }
0x47: {  	_ =	shalt  }
0x48: {  	_ =	shalt  }
0x49: {  	_ =	shalt  }
0x4a: {  	_ =	shalt  }
0x4b: {  	_ =	shalt  }
0x4c: {  	_ =	shalt  }
0x4d: {  	_ =	shalt  }
0x4e: {  	_ =	shalt  }
0x4f: {  	_ =	shalt  }
0x50: {  	_ =	shalt  }
0x51: {  	_ =	shalt  }
0x52: {  	_ =	shalt  }
0x53: {  	_ =	shalt  }
0x54: {  	_ =	shalt  }
0x55: {  	_ =	shalt  }
0x56: {  	_ =	shalt  }
0x57: {  	_ =	shalt  }
0x58: {  	_ =	shalt  }
0x59: {  	_ =	shalt  }
0x5a: {  	_ =	shalt  }
0x5b: {  	_ =	shalt  }
0x5c: {  	_ =	shalt  }
0x5d: {  	_ =	shalt  }
0x5e: {  	_ =	shalt  }
0x5f: {  	_ =	shalt  }
0x60: {  	_ =	shalt  }
0x61: {  	_ =	shalt  }
0x62: {  	_ =	shalt  }
0x63: {  	_ =	shalt  }
0x64: {  	_ =	shalt  }
0x65: {  	_ =	shalt  }
0x66: {  	_ =	shalt  }
0x67: {  	_ =	shalt  }
0x68: {  	_ =	shalt  }
0x69: {  	_ =	shalt  }
0x6a: {  	_ =	shalt  }
0x6b: {  	_ =	shalt  }
0x6c: {  	_ =	shalt  }
0x6d: {  	_ =	shalt  }
0x6e: {  	_ =	shalt  }
0x6f: {  	_ =	shalt  }
0x70: {  	_ =	shalt  }
0x71: {  	_ =	shalt  }
0x72: {  	_ =	shalt  }
0x73: {  	_ =	shalt  }
0x74: {  	_ =	shalt  }
0x75: {  	_ =	shalt  }
0x76: {  	_ =	shalt  }
0x77: {  	_ =	shalt  }
0x78: {  	_ =	shalt  }
0x79: {  	_ =	shalt  }
0x7a: {  	_ =	shalt  }
0x7b: {  	_ =	shalt  }
0x7c: {  	_ =	shalt  }
0x7d: {  	_ =	shalt  }
0x7e: {  	_ =	shalt  }
0x7f: {  	_ =	shalt  }
0x80: {  	_ =	shalt  }
0x81: {  	_ =	shalt  }
0x82: {  	_ =	shalt  }
0x83: {  	_ =	shalt  }
0x84: {  	_ =	shalt  }
0x85: {  	_ =	shalt  }
0x86: {  	_ =	shalt  }
0x87: {  	_ =	shalt  }
.Lfunc_end0:
.L_simem_size_0:
called_computation.1_lowered:
.L_overlay_start_0:
0x88: {  	s2 =	sld [smem:$0x3FD9]  }
0x89: {  	s3 =	sld [smem:$0x3FFE];
	_ =	sdelay $0x1  }
0x8a: {  	s1 =	srdreg.scid  }
0x8b: {  	s0 =	sand.u32 $0x1, s1  }
0x8c: {  	s16 =	sshll.u32 s0, $0xA;
	s2 =	sadd.s32 s3, s2  }
0x8d: {  	s2 =	sadd.s32 s2, s16  }
0x8e: {  	[smem:$0x3FC3] =	sst s2  }
0x8f: {  	_ = 	snop  }
0x90: {  	(tm) =	ssettm $0x1  }
0x91: {  	s17 =	sld [smem:$0x3FFB];
	_ =	sdelay $0x3  }
0x92: {  	_ =	strace s17  }
0x93: {  	s2 =	sld [smem:$0x3FFC];
	_ =	sdelay $0x3  }
0x94: {  	_ =	strace s2  }
0x95: {  	s2 =	sld [smem:$0x3FFD];
	_ =	sdelay $0x3  }
0x96: {  	_ =	strace s2  }
0x97: {  	_ =	strace $0x8FFFFFFF  }
0x98: {  	s18 =	sld [smem:$0x3FDB];
	_ =	sdelay $0x1  }
0x99: {  	s19 =	simm.s32 $_scs_section_size  }
0x9a: {  	s4 =	simm.s32 $_size__tile_overlayer_lowered;
	s5 =	simm.s32 $_tile_overlayer_lowered  }
0x9b: {  	s22 =	simm.s32 $0x1BFF;
	s21 =	sshll.u32 s5, $0x1;
	s2 =	sadd.s32 s19, s18  }
0x9c: {  	s6 =	simm.s32 $0x0;
	s20 =	sshll.u32 s4, $0x1;
	s4 =	sadd.s32 s21, s2  }
0x9d: {  	[timem:s6], [sflag:s22] =	dma.local [hbm:s4], s20  }
0x9e: {  	_ =	swait.ge [sflag:s22], s20  }
0x9f: {  	s3 =	ssub.s32 $0x0, s20;
	[sflag:s22] =	ssyncset.done $0x0  }
0xa0: {  	[sflag:s22] =	ssyncadd.s32 s3;
	_ =	sdelay $0x1  }
0xa1: {  	s23 =	simm.s32 $0x1B8B  }
0xa2: {  	_ =	swait.ge [sflag:s23], $0x1  }
0xa3: {  	[sflag:s23] =	ssyncset.done $0x0  }
0xa4: {  	s25 =	simm.s32 $0x1B8E;
	s24 =	sld [smem:$0x3FFE];
	[sflag:s23] =	ssyncadd.s32 $0xFFFFFFFF  }
0xa5: {  	s26 =	simm.s32 $execute0_lowered;
	[smem:$0x3FD2] =	sst s25  }
0xa6: {  	s4 =	sshll.u32 s26, $0x1;
	_ =	strace $0x80000046;
	[dreg:$0x1] =	wrdreg $0xFFFFFFFF  }
0xa7: {  	s28 =	simm.s32 $_size_execute0_lowered;
	s2 =	sadd.s32 s2, s4;
	[dreg:$0x0] =	wrdreg $0x0  }
0xa8: {  	s4 =	sshll.u32 s28, $0x1;
	[dreg:$0x2] =	wrdreg s2  }
0xa9: {  	[dreg:$0x3] =	wrdreg s4  }
0xaa: {  	[dreg:$0x4] =	wrdreg $0xC0  }
0xab: {  	_ =	task [dreg:s6], $0x5FFFF  }
0xac: {  	[dreg:$0x1] =	wrdreg $0xFFFFFFFF  }
0xad: {  	[dreg:$0x0] =	wrdreg $0x60  }
0xae: {  	[dreg:$0x2] =	wrdreg s24  }
0xaf: {  	[dreg:$0x3] =	wrdreg $0xA  }
0xb0: {  	_ =	task.clear_ibuf [dreg:s6], $0x4FFFF;
	_ =	strace $0x90000046  }
0xb1: {  	s29 =	simm.s32 $0xA;
	_ =	strace $0x80000048  }
0xb2: {  	_ =	swait.ge [sflag:s29], $0x1  }
0xb3: {  	[sflag:s29] =	ssyncadd.s32 $0xFFFFFFFF  }
0xb4: {  	_ =	strace $0x90000048  }
0xb5: {  	_ =	sfence  }
0xb6: {  	s30 =	sld [smem:$0x0];
	_ =	sdelay $0x2  }
0xb7: {  	s31 =	sshll.u32 s1, $0xD;
	s1 =	sshrl.u32 s1, $0x2  }
0xb8: {  	s3 =	sand.u32 $0x4000, s31;
	s1 =	sadd.s32 s1, s30  }
0xb9: {  	s0 =	sor.u32 s3, s0;
	s1 =	sshll.u32 s1, $0x11  }
0xba: {  	s0 =	sor.u32 s1, s0  }
0xbb: {  	s0 =	sadd.s32 $0x8F2B, s0  }
0xbc: {  	[sflag:s0] =	ssyncadd.remote.s32 $0x1  }
0xbd: {  	_ =	sfence.sel $0xFFFF  }
0xbe: {  	[dreg:$0x0] =	wrdreg $0xFFFFFFFF;
	(pc) =	sbr.abs _section_cstart, $3  }
0xbf: {  	[dreg:$0x1] =	wrdreg $0xFFFFFFFF  }
0xc0: {  	_ =	task.clear_ibuf [dreg:s6], $0x2FFFF;
	_ =	strace $0x9FFFFFFF  }
0xc1: {  	(tm) =	ssettm $0x7FFFFFFF  }
tec
execute0_lowered:
.L_overlay_start_1:
0x0: {  	(tag) =	ssettag $0x1  }
0x1: {  	s1 =	srdreg.scid  }
0x2: {  	s0 =	stileid.u32;
	s6 =	sand.u32 $0x1, s1  }
0x3: {  	s8 =	rddreg [dreg:$0x0];
	s30 =	sshll.u32 s0, $0x7;
	s2 =	sshll.u32 s6, $0x6  }
0x4: {  	s7 =	simm.s32 $0x1;
	s1 =	rddreg [dreg:$0x1];
	s9 =	sor.u32 s2, s30  }
0x5: {  	s5 =	sadd.s32 $0x1000, s8;
	s2 =	simm.s32 $0x0;
	s3 =	sshrl.u32 s9, $0x3  }
0x6: {  	s10 =	ssub.s32 $0x2, s6;
	[smem:$0x7FF] =	sst s2;
	s3 =	sadd.s32 s3, s8  }
0x7: {  	_ =	strace $0x80000047;
	s4 =	sadd.s32 $0x9000, s3;
	s3 =	simm.s32 $0x2  }
0x8: {  	[tilespmem:s2], [sflag:$0x2] =	stream.linear.gather [hbm4b:s4+s2], $0x40, $0x38;
	[tilespmem:$0x840] =	vst v63  }
0x9: {  	s6 =	simm.s32 $0x40;
	s11 =	sshrl.u32 s10, $0x1;
	_ =	swait.ge [sflag:s3], $0x40  }
0xa: {  	s9 =	sshll.u32 s9, $0x2;
	s31 =	ssub.s32 s10, s11;
	[sflag:s3] =	ssyncset.done $0x0  }
0xb: {  	s8 =	sadd.s32 s9, s8;
	s9 =	smax.u32 s31, $0x1;
	[sflag:s3] =	ssyncadd.s32 $0xFFFFFFC0  }
0xc: {  	[tilespmem:s6], [sflag:$0x1] =	stream.indirect.gather [hbm4b:s5+s6], $0x20, s2, s6, $0xb8;
	[tilespmem:$0x840] =	vst v63  }
0xd: {  	p0 =	sne.s32 s9, $0x1;
	_ =	swait.ge [sflag:s7], $0x800  }
.Ltmp0:
0xe: {  	[sflag:s7] =	ssyncset.done $0x0;
	(pc) =	sbr.rel @!p0 .LBB2_2-.Ltmp0, $4  }
0xf: {  	s8 =	sadd.s32 $0x9200, s8;
	[sflag:s7] =	ssyncadd.s32 $0xFFFFF800  }
0x10: {  	[hbm4b:s8+s2] =	stream.linear.scatter [tilespmem:s6], [sflag:$0x2], $0x800, $0x38;
	[tilespmem:$0x840] =	vst v63  }
0x11: {  	_ =	swait.ge [sflag:s3], $0x800  }
0x12: {  	s9 =	sadd.s32 $0xFFFFFFFF, s9;
	[sflag:s3] =	ssyncset.done $0x0  }
.LBB2_1:
0x13: {  	p0 =	sne.s32 s9, $0x1;
	s9 =	sadd.s32 $0xFFFFFFFF, s9;
	[sflag:s3] =	ssyncadd.s32 $0xFFFFF800  }
0x14: {  	[tilespmem:s2], [sflag:$0x2] =	stream.linear.gather [hbm4b:s4+s2], $0x40, $0x38;
	[tilespmem:$0x840] =	vst v63  }
0x15: {  	_ =	swait.ge [sflag:s3], $0x40  }
0x16: {  	[sflag:s3] =	ssyncset.done $0x0  }
0x17: {  	[sflag:s3] =	ssyncadd.s32 $0xFFFFFFC0  }
0x18: {  	[tilespmem:s6], [sflag:$0x1] =	stream.indirect.gather [hbm4b:s5+s6], $0x20, s2, s6, $0xb8;
	[tilespmem:$0x840] =	vst v63  }
0x19: {  	_ =	swait.ge [sflag:s7], $0x800  }
.Ltmp1:
0x1a: {  	[sflag:s7] =	ssyncset.done $0x0;
	(pc) =	sbr.rel @p0 .LBB2_1-.Ltmp1, $4  }
0x1b: {  	[sflag:s7] =	ssyncadd.s32 $0xFFFFF800  }
0x1c: {  	[hbm4b:s8+s2] =	stream.linear.scatter [tilespmem:s6], [sflag:$0x2], $0x800, $0x38;
	[tilespmem:$0x840] =	vst v63  }
0x1d: {  	_ =	swait.ge [sflag:s3], $0x800  }
0x1e: {  	[sflag:s3] =	ssyncset.done $0x0  }
.LBB2_2:
0x1f: {  	[sflag:s3] =	ssyncadd.s32 $0xFFFFF800  }
0x20: {  	_ =	sfence.sel $0x180000  }
0x21: {  	[bflag:$0x0] =	sbarrier.arrive $0xFFFF  }
0x22: {  	p0 =	sne.s32 s0, $0x0;
	_ =	strace $0x90000047  }
0x23: {  	s0 =	sadd.s32 @!p0 $0x100000, s1;
	[bflag:$0x2] =	sbarrier.arrive $0xFFFF  }
0x24: {  	[sflag:s0] =	ssyncadd.tile.s32 @!p0 $0x1;
	_ =	shalt  }
.Lfunc_end2:
_tile_overlayer_lowered:
.L_overlay_start_2:
0x25: {  	(tag) =	ssettag $0x2  }
0x26: {  	s0 =	rddreg [dreg:$0x0];
	s2 =	stileid.u32  }
0x27: {  	s1 =	rddreg [dreg:$0x1];
	p0 =	sne.s32 s2, $0x0  }
0x28: {  	s3 =	rddreg [dreg:$0x2];
	[bflag:$0x3] =	sbarrier.arrive $0xFFFF;
	s2 =	simm.s32 @!p0 $0x1C02  }
0x29: {  	[timem:s3], [sflag:s2] =	dma.local @!p0 [hbm:s0], s1  }
0x2a: {  	s0 =	simm.s32 @!p0 $0x2  }
0x2b: {  	_ =	swait.ge @!p0 [sflag:s0], s1  }
0x2c: {  	s1 =	ssub.s32 @!p0 $0x0, s1;
	[sflag:s0] =	ssyncset.done @!p0 $0x0  }
0x2d: {  	[sflag:s0] =	ssyncadd.s32 @!p0 s1  }
0x2e: {  	[bflag:$0x3] =	sbarrier.arrive $0xFFFF  }
0x2f: {  	_ =	shalt  }

// kernel: kernel.8.cloned.1.call-start
scs
__scs_entry_jumppad:
0x0: {  	(pc) =	sbr.rel $0x88, $3  }
0x1: {  	(tag) =	ssettag $0x0;
	lr =	simm.s32 $0x1  }
0x2: {  	[smem:$0x3F9C] =	sst lr;
	_ =	strace $0xD0000000  }
0x3: {  	_ = 	snop  }
0x4: {  	_ = 	snop  }
0x5: {  	_ = 	snop  }
0x6: {  	_ = 	snop  }
0x7: {  	_ = 	snop  }
__scs_overlays_trampoline_lowered:
0x8: {  	[smem:$0x3FAB] =	sst s0  }
0x9: {  	[smem:$0x3FAC] =	sst s1  }
0xa: {  	[smem:$0x3FAD] =	sst s2  }
0xb: {  	[smem:$0x3FAE] =	sst s3  }
0xc: {  	[smem:$0x3FAF] =	sst s4  }
0xd: {  	[smem:$0x3FB0] =	sst s5  }
0xe: {  	[smem:$0x3FB1] =	sst s6  }
0xf: {  	[smem:$0x3FB2] =	sst s7  }
0x10: {  	[smem:$0x3FB3] =	sst s8  }
0x11: {  	[smem:$0x3FB4] =	sst s9;
	s0 =	simm.s32 @!p0 $0x0  }
0x12: {  	s1 =	sld [smem:$0x3F9A];
	s0 =	simm.s32 @p0 $0x1  }
0x13: {  	[smem:$0x3FB5] =	sst s0;
	s0 =	simm.s32 @!p1 $0x0  }
0x14: {  	s2 =	sld [smem:$0x3F99];
	s0 =	simm.s32 @p1 $0x1  }
0x15: {  	[smem:$0x3FB6] =	sst s0;
	s0 =	simm.s32 @!p2 $0x0  }
0x16: {  	s3 =	sld [smem:$0x3FDB];
	s0 =	simm.s32 @p2 $0x1  }
0x17: {  	s4 =	simm.s32 $0x1BF5;
	[smem:$0x3FB8] =	sst s0  }
0x18: {  	s0 =	sld [smem:$0x3F9B];
	_ =	swait.ge [sflag:s4], $0x0  }
0x19: {  	s7 =	sld [smem:$0x3F9C]  }
0x1a: {  	s8 =	sadd.s32 $0xFFFFE003, lr  }
0x1b: {  	s9 =	sadd.s32 $0xFFFFFEF7, lr;
	s5 =	simm.s32 $0xFFFFFFFF;
	p2 =	slt.u32 s8, $0xFFFFF086  }
0x1c: {  	p1 =	slt.u32 s9, $0xF7A;
	s5 =	simm.s32 @!p2 $0x0  }
0x1d: {  	s5 =	simm.s32 @p1 $0x1;
	p0 =	seq.s32 s7, s2  }
0x1e: {  	s7 =	smul.u32 @!p0 $0xF7A, s2;
	p2 =	seq.s32 @!p0 s5, $0x0  }
0x1f: {  	s9 =	smul.u32 $0xF7A, s1;
	s8 =	simm.s32 @!p0 $0x1BF5;
	p2 =	por !p2, p0  }
0x20: {  	[sflag:s8] =	ssyncset.s32 @!p0 $0xFFFFF086;
	s6 =	sadd.s32 @!p0 s3, s7;
	s7 =	simm.s32 @!p0 $0x108  }
0x21: {  	s3 =	sadd.s32 s3, s9;
	s6 =	sadd.s32 @!p0 $0x88, s6;
	s7 =	simm.s32 @p2 $0x1082  }
0x22: {  	[simem:s7], [sflag:s8] =	dma.local @!p0 [hbm:s6], $0xF7A  }
0x23: {  	s9 =	sor.u32 $0xD0000000, s2;
	s6 =	simm.s32 $0x108;
	_ =	swait.ge @!p0 [sflag:s8], $0x0  }
0x24: {  	s3 =	sadd.s32 $0x88, s3;
	s6 =	simm.s32 @!p1 $0x1082;
	[sflag:s4] =	ssyncset.s32 $0xFFFFF086  }
0x25: {  	[simem:s6], [sflag:s4] =	dma.local [hbm:s3], $0xF7A  }
0x26: {  	[smem:$0x3F9C] =	sst s1;
	(tag) =	ssettag s2;
	_ =	strace s9  }
0x27: {  	s1 =	sld [smem:$0x3FAC]  }
0x28: {  	s2 =	sld [smem:$0x3FAD]  }
0x29: {  	s4 =	sld [smem:$0x3FAF]  }
0x2a: {  	p0 =	seq.s32 s5, $0x0;
	s5 =	sld [smem:$0x3FB0]  }
0x2b: {  	s6 =	sld [smem:$0x3FB1]  }
0x2c: {  	s7 =	sld [smem:$0x3FB2]  }
0x2d: {  	s3 =	simm.s32 $0x108;
	s8 =	sld [smem:$0x3FB3]  }
0x2e: {  	s3 =	simm.s32 @!p0 $0x1082;
	s9 =	sld [smem:$0x3FB4]  }
0x2f: {  	lr =	sadd.s32 s0, s3;
	s0 =	sld [smem:$0x3FAB]  }
0x30: {  	s3 =	sld [smem:$0x3FAE]  }
0x31: {  	[smem:$0x3FB7] =	sst s10  }
0x32: {  	s10 =	sld [smem:$0x3FB5];
	_ =	sdelay $0x3  }
0x33: {  	p0 =	seq.s32 s10, $0x1;
	s10 =	sld [smem:$0x3FB7];
	_ =	sdelay $0x3  }
0x34: {  	[smem:$0x3FB7] =	sst s10  }
0x35: {  	s10 =	sld [smem:$0x3FB6];
	_ =	sdelay $0x3  }
0x36: {  	p1 =	seq.s32 s10, $0x1;
	s10 =	sld [smem:$0x3FB7];
	_ =	sdelay $0x3  }
0x37: {  	[smem:$0x3FB7] =	sst s10  }
0x38: {  	s10 =	sld [smem:$0x3FB8]  }
0x39: {  	_ = 	snop;
	(pc) =	sbr.ind lr, $3  }
0x3a: {  	_ = 	snop  }
0x3b: {  	_ = 	snop  }
0x3c: {  	p2 =	seq.s32 s10, $0x1;
	s10 =	sld [smem:$0x3FB7]  }
0x3d: {  	_ =	shalt  }
0x3e: {  	_ =	shalt  }
0x3f: {  	_ =	shalt  }
0x40: {  	_ =	shalt  }
0x41: {  	_ =	shalt  }
0x42: {  	_ =	shalt  }
0x43: {  	_ =	shalt  }
0x44: {  	_ =	shalt  }
0x45: {  	_ =	shalt  }
0x46: {  	_ =	shalt  }
0x47: {  	_ =	shalt  }
0x48: {  	_ =	shalt  }
0x49: {  	_ =	shalt  }
0x4a: {  	_ =	shalt  }
0x4b: {  	_ =	shalt  }
0x4c: {  	_ =	shalt  }
0x4d: {  	_ =	shalt  }
0x4e: {  	_ =	shalt  }
0x4f: {  	_ =	shalt  }
0x50: {  	_ =	shalt  }
0x51: {  	_ =	shalt  }
0x52: {  	_ =	shalt  }
0x53: {  	_ =	shalt  }
0x54: {  	_ =	shalt  }
0x55: {  	_ =	shalt  }
0x56: {  	_ =	shalt  }
0x57: {  	_ =	shalt  }
0x58: {  	_ =	shalt  }
0x59: {  	_ =	shalt  }
0x5a: {  	_ =	shalt  }
0x5b: {  	_ =	shalt  }
0x5c: {  	_ =	shalt  }
0x5d: {  	_ =	shalt  }
0x5e: {  	_ =	shalt  }
0x5f: {  	_ =	shalt  }
0x60: {  	_ =	shalt  }
0x61: {  	_ =	shalt  }
0x62: {  	_ =	shalt  }
0x63: {  	_ =	shalt  }
0x64: {  	_ =	shalt  }
0x65: {  	_ =	shalt  }
0x66: {  	_ =	shalt  }
0x67: {  	_ =	shalt  }
0x68: {  	_ =	shalt  }
0x69: {  	_ =	shalt  }
0x6a: {  	_ =	shalt  }
0x6b: {  	_ =	shalt  }
0x6c: {  	_ =	shalt  }
0x6d: {  	_ =	shalt  }
0x6e: {  	_ =	shalt  }
0x6f: {  	_ =	shalt  }
0x70: {  	_ =	shalt  }
0x71: {  	_ =	shalt  }
0x72: {  	_ =	shalt  }
0x73: {  	_ =	shalt  }
0x74: {  	_ =	shalt  }
0x75: {  	_ =	shalt  }
0x76: {  	_ =	shalt  }
0x77: {  	_ =	shalt  }
0x78: {  	_ =	shalt  }
0x79: {  	_ =	shalt  }
0x7a: {  	_ =	shalt  }
0x7b: {  	_ =	shalt  }
0x7c: {  	_ =	shalt  }
0x7d: {  	_ =	shalt  }
0x7e: {  	_ =	shalt  }
0x7f: {  	_ =	shalt  }
0x80: {  	_ =	shalt  }
0x81: {  	_ =	shalt  }
0x82: {  	_ =	shalt  }
0x83: {  	_ =	shalt  }
0x84: {  	_ =	shalt  }
0x85: {  	_ =	shalt  }
0x86: {  	_ =	shalt  }
0x87: {  	_ =	shalt  }
.Lfunc_end0:
.L_simem_size_0:
called_computation_lowered:
.L_overlay_start_0:
0x88: {  	s2 =	sld [smem:$0x3FD9]  }
0x89: {  	s3 =	sld [smem:$0x3FFE];
	_ =	sdelay $0x1  }
0x8a: {  	s1 =	srdreg.scid  }
0x8b: {  	s0 =	sand.u32 $0x1, s1  }
0x8c: {  	s17 =	sshll.u32 s0, $0xA;
	s2 =	sadd.s32 s3, s2  }
0x8d: {  	s2 =	sadd.s32 s2, s17  }
0x8e: {  	[smem:$0x3FC3] =	sst s2  }
0x8f: {  	_ = 	snop  }
0x90: {  	s18 =	sld [smem:$0x3FD0];
	(tm) =	ssettm $0x1  }
0x91: {  	s19 =	sld [smem:$0x3FFB];
	_ =	sdelay $0x3  }
0x92: {  	_ =	strace s19  }
0x93: {  	s2 =	sld [smem:$0x3FFC];
	_ =	sdelay $0x3  }
0x94: {  	_ =	strace s2  }
0x95: {  	s2 =	sld [smem:$0x3FFD];
	_ =	sdelay $0x3  }
0x96: {  	_ =	strace s2  }
0x97: {  	_ =	strace $0x8FFFFFFF  }
0x98: {  	s20 =	sld [smem:$0x3FDB];
	_ =	sdelay $0x1  }
0x99: {  	s4 =	simm.s32 $_scs_section_size  }
0x9a: {  	s5 =	simm.s32 $_size__tile_overlayer_lowered;
	s6 =	simm.s32 $_tile_overlayer_lowered  }
0x9b: {  	s7 =	simm.s32 $0x1BFF;
	s21 =	sshll.u32 s6, $0x1;
	s4 =	sadd.s32 s4, s20  }
0x9c: {  	s22 =	simm.s32 $0x0;
	s5 =	sshll.u32 s5, $0x1;
	s6 =	sadd.s32 s21, s4  }
0x9d: {  	[timem:s22], [sflag:s7] =	dma.local [hbm:s6], s5  }
0x9e: {  	_ =	swait.ge [sflag:s7], s5  }
0x9f: {  	s5 =	ssub.s32 $0x0, s5;
	[sflag:s7] =	ssyncset.done $0x0  }
0xa0: {  	[sflag:s7] =	ssyncadd.s32 s5;
	_ =	sdelay $0x1  }
0xa1: {  	s23 =	simm.s32 $0x1B8B  }
0xa2: {  	_ =	swait.ge [sflag:s23], $0x1  }
0xa3: {  	[sflag:s23] =	ssyncset.done $0x0  }
0xa4: {  	[sflag:s23] =	ssyncadd.s32 $0xFFFFFFFF  }
0xa5: {  	s5 =	sld [smem:$0x0]  }
0xa6: {  	s6 =	sand.u32 $0xFFFFFFFE, s1  }
0xa7: {  	p0 =	sne.s32 s1, s6  }
0xa8: {  	s6 =	sshll.u32 @p0 s6, $0xE  }
0xa9: {  	s6 =	sadd.s32 @p0 $0x11B8D, s6;
	s7 =	sshll.u32 @p0 s5, $0x11  }
0xaa: {  	s6 =	sor.u32 @p0 s7, s6  }
0xab: {  	[sflag:s6] =	ssyncadd.remote.s32 @p0 $0x1;
	_ =	sdelay $0x1  }
0xac: {  	s6 =	simm.s32 @p0 $0x1B8D  }
0xad: {  	_ =	swait.eq @p0 [sflag:s6], $0x1  }
0xae: {  	[sflag:s6] =	ssyncadd.s32 @p0 $0xFFFFFFFF  }
0xaf: {  	s7 =	sshll.u32 @!p0 s1, $0xE  }
0xb0: {  	s7 =	sor.u32 @!p0 $0x4000, s7;
	s6 =	simm.s32 @!p0 $0x1B8D  }
0xb1: {  	s5 =	sshll.u32 @!p0 s5, $0x11;
	s7 =	sadd.s32 @!p0 $0x11B8D, s7;
	_ =	swait.eq @!p0 [sflag:s6], $0x1  }
0xb2: {  	s5 =	sor.u32 @!p0 s5, s7;
	[sflag:s6] =	ssyncadd.s32 @!p0 $0xFFFFFFFF  }
0xb3: {  	s25 =	simm.s32 $0x1B8E;
	s24 =	sld [smem:$0x3FFE];
	[sflag:s5] =	ssyncadd.remote.s32 @!p0 $0x1  }
0xb4: {  	s26 =	simm.s32 $execute0_lowered;
	[smem:$0x3FD2] =	sst s25  }
0xb5: {  	s6 =	sshll.u32 s26, $0x1;
	_ =	strace $0x80000049;
	[dreg:$0x1] =	wrdreg $0xFFFFFFFF  }
0xb6: {  	s28 =	simm.s32 $_size_execute0_lowered;
	s4 =	sadd.s32 s4, s6;
	[dreg:$0x0] =	wrdreg $0x0  }
0xb7: {  	s6 =	sshll.u32 s28, $0x1;
	[dreg:$0x2] =	wrdreg s4  }
0xb8: {  	[dreg:$0x3] =	wrdreg s6  }
0xb9: {  	[dreg:$0x4] =	wrdreg $0xC0  }
0xba: {  	_ =	task [dreg:s22], $0x5FFFF  }
0xbb: {  	[dreg:$0x1] =	wrdreg $0xFFFFFFFF  }
0xbc: {  	[dreg:$0x0] =	wrdreg $0x60  }
0xbd: {  	[dreg:$0x2] =	wrdreg s24  }
0xbe: {  	[dreg:$0x3] =	wrdreg s18  }
0xbf: {  	[dreg:$0x4] =	wrdreg $0x9  }
0xc0: {  	_ =	task.clear_ibuf [dreg:s22], $0x5FFFF;
	_ =	strace $0x90000049  }
0xc1: {  	s29 =	simm.s32 $0x9;
	_ =	strace $0x8000004B  }
0xc2: {  	_ =	swait.ge [sflag:s29], $0x1  }
0xc3: {  	[sflag:s29] =	ssyncadd.s32 $0xFFFFFFFF  }
0xc4: {  	_ =	strace $0x9000004B  }
0xc5: {  	_ =	sfence  }
0xc6: {  	s30 =	sld [smem:$0x0];
	_ =	sdelay $0x2  }
0xc7: {  	s31 =	sshll.u32 s1, $0xD;
	s1 =	sshrl.u32 s1, $0x2  }
0xc8: {  	s4 =	sand.u32 $0x4000, s31;
	s1 =	sadd.s32 s1, s30  }
0xc9: {  	s0 =	sor.u32 s4, s0;
	s1 =	sshll.u32 s1, $0x11  }
0xca: {  	s0 =	sor.u32 s1, s0  }
0xcb: {  	s0 =	sadd.s32 $0x8F2B, s0  }
0xcc: {  	[sflag:s0] =	ssyncadd.remote.s32 $0x1  }
0xcd: {  	_ =	sfence.sel $0xFFFF  }
0xce: {  	[dreg:$0x0] =	wrdreg $0xFFFFFFFF;
	(pc) =	sbr.abs _section_cstart, $3  }
0xcf: {  	[dreg:$0x1] =	wrdreg $0xFFFFFFFF  }
0xd0: {  	_ =	task.clear_ibuf [dreg:s22], $0x2FFFF;
	_ =	strace $0x9FFFFFFF  }
0xd1: {  	(tm) =	ssettm $0x7FFFFFFF  }
tec
execute0_lowered:
.L_overlay_start_1:
0x0: {  	(tag) =	ssettag $0x1  }
0x1: {  	s1 =	srdreg.scid;
	s0 =	stileid.u32  }
0x2: {  	s6 =	sand.u32 $0x1, s1;
	s30 =	sshll.u32 s0, $0x1  }
0x3: {  	s5 =	rddreg [dreg:$0x0];
	s8 =	sor.u32 s6, s30  }
0x4: {  	s9 =	rddreg [dreg:$0x1];
	s2 =	simm.s32 $0x0;
	s3 =	smul.u32 $0xA, s8  }
0x5: {  	[smem:$0x7FF] =	sst s2  }
0x6: {  	s1 =	rddreg [dreg:$0x2];
	_ =	strace $0x8000004A;
	s3 =	sadd.s32 s3, s5  }
0x7: {  	s10 =	ssub.s32 $0x2, s6;
	s4 =	sadd.s32 $0xB200, s3;
	s3 =	simm.s32 $0x2  }
0x8: {  	[tilespmem:s2], [sflag:$0x2] =	stream.linear.gather [hbm4b:s4+s2], $0x50, $0x38;
	[tilespmem:$0xA50] =	vst v63  }
0x9: {  	s7 =	simm.s32 $0x1;
	s11 =	sshrl.u32 s10, $0x1;
	_ =	swait.ge [sflag:s3], $0x50  }
0xa: {  	s6 =	simm.s32 $0x50;
	s10 =	ssub.s32 s10, s11;
	[sflag:s3] =	ssyncset.done $0x0  }
0xb: {  	s5 =	sadd.s32 $0x1000, s5;
	s31 =	smax.u32 s10, $0x1;
	[sflag:s3] =	ssyncadd.s32 $0xFFFFFFB0  }
0xc: {  	[tilespmem:s6], [sflag:$0x1] =	stream.indirect.gather [hbm4b:s5+s6], $0x20, s2, s6, $0xb8;
	[tilespmem:$0xA50] =	vst v63  }
0xd: {  	s8 =	smul.u32 $0x140, s8;
	p0 =	sne.s32 s31, $0x1;
	_ =	swait.ge [sflag:s7], $0xA00  }
.Ltmp0:
0xe: {  	[sflag:s7] =	ssyncset.done $0x0;
	(pc) =	sbr.rel @!p0 .LBB2_2-.Ltmp0, $4  }
0xf: {  	s8 =	sadd.s32 s9, s8;
	[sflag:s7] =	ssyncadd.s32 $0xFFFFF600  }
0x10: {  	[hbm4b:s8+s2] =	stream.linear.scatter [tilespmem:s6], [sflag:$0x2], $0xA00, $0x38;
	[tilespmem:$0xA50] =	vst v63  }
0x11: {  	_ =	swait.ge [sflag:s3], $0xA00  }
0x12: {  	s9 =	sadd.s32 $0xFFFFFFFF, s31;
	[sflag:s3] =	ssyncset.done $0x0  }
.LBB2_1:
0x13: {  	p0 =	sne.s32 s9, $0x1;
	s9 =	sadd.s32 $0xFFFFFFFF, s9;
	[sflag:s3] =	ssyncadd.s32 $0xFFFFF600  }
0x14: {  	[tilespmem:s2], [sflag:$0x2] =	stream.linear.gather [hbm4b:s4+s2], $0x50, $0x38;
	[tilespmem:$0xA50] =	vst v63  }
0x15: {  	_ =	swait.ge [sflag:s3], $0x50  }
0x16: {  	[sflag:s3] =	ssyncset.done $0x0  }
0x17: {  	[sflag:s3] =	ssyncadd.s32 $0xFFFFFFB0  }
0x18: {  	[tilespmem:s6], [sflag:$0x1] =	stream.indirect.gather [hbm4b:s5+s6], $0x20, s2, s6, $0xb8;
	[tilespmem:$0xA50] =	vst v63  }
0x19: {  	_ =	swait.ge [sflag:s7], $0xA00  }
.Ltmp1:
0x1a: {  	[sflag:s7] =	ssyncset.done $0x0;
	(pc) =	sbr.rel @p0 .LBB2_1-.Ltmp1, $4  }
0x1b: {  	[sflag:s7] =	ssyncadd.s32 $0xFFFFF600  }
0x1c: {  	[hbm4b:s8+s2] =	stream.linear.scatter [tilespmem:s6], [sflag:$0x2], $0xA00, $0x38;
	[tilespmem:$0xA50] =	vst v63  }
0x1d: {  	_ =	swait.ge [sflag:s3], $0xA00  }
0x1e: {  	[sflag:s3] =	ssyncset.done $0x0  }
.LBB2_2:
0x1f: {  	[sflag:s3] =	ssyncadd.s32 $0xFFFFF600  }
0x20: {  	_ =	sfence.sel $0x180000  }
0x21: {  	[bflag:$0x0] =	sbarrier.arrive $0xFFFF  }
0x22: {  	p0 =	sne.s32 s0, $0x0;
	_ =	strace $0x9000004A  }
0x23: {  	s0 =	sadd.s32 @!p0 $0x100000, s1;
	[bflag:$0x2] =	sbarrier.arrive $0xFFFF  }
0x24: {  	[sflag:s0] =	ssyncadd.tile.s32 @!p0 $0x1;
	_ =	shalt  }
.Lfunc_end2:
_tile_overlayer_lowered:
.L_overlay_start_2:
0x25: {  	(tag) =	ssettag $0x2  }
0x26: {  	s0 =	rddreg [dreg:$0x0];
	s2 =	stileid.u32  }
0x27: {  	s1 =	rddreg [dreg:$0x1];
	p0 =	sne.s32 s2, $0x0  }
0x28: {  	s3 =	rddreg [dreg:$0x2];
	[bflag:$0x3] =	sbarrier.arrive $0xFFFF;
	s2 =	simm.s32 @!p0 $0x1C02  }
0x29: {  	[timem:s3], [sflag:s2] =	dma.local @!p0 [hbm:s0], s1  }
0x2a: {  	s0 =	simm.s32 @!p0 $0x2  }
0x2b: {  	_ =	swait.ge @!p0 [sflag:s0], s1  }
0x2c: {  	s1 =	ssub.s32 @!p0 $0x0, s1;
	[sflag:s0] =	ssyncset.done @!p0 $0x0  }
0x2d: {  	[sflag:s0] =	ssyncadd.s32 @!p0 s1  }
0x2e: {  	[bflag:$0x3] =	sbarrier.arrive $0xFFFF  }
0x2f: {  	_ =	shalt  }

</sc_bundles>
